<compile_context>
chip_gen: v7x
topology: tpu7x:2x2x1
jax: 0.10.2.dev20260603
libtpu: 0.0.44.dev20260713+nightly
codegen_flags: <defaults>
</compile_context>

<pallas_src>
import functools

import jax
import jax.numpy as jnp
from jax import lax
from jax.experimental import pallas as pl
from jax.experimental.pallas import tpu as pltpu
from jax.experimental.pallas import tpu_sc as plsc

_B, _N_IN, _N_OUT, _K, _D = 2, 12288, 49152, 8, 128
_NC, _NS, _L = 2, 16, 16
_NW = _NC * _NS
_CHUNK = 16
_G = _CHUNK * _K
_M = _B * _N_OUT
_ROWS_PER_W = _M // _NW
_NCHUNKS = _ROWS_PER_W // _CHUNK
_Q = _N_OUT // _CHUNK
_DJ = _D // _L
_WPB = _NW // _B
_NBUF = 4


def _iwd_body(x_hbm, idx_hbm, dist_hbm, out_hbm,
              idx_all, dist_all, w_v, g_bufs, o_bufs, gsems, osems):
    wid = lax.axis_index("s") * _NC + lax.axis_index("c")
    b = wid // _WPB
    chunk0 = (wid % _WPB) * _NCHUNKS
    mrow0 = wid * _ROWS_PER_W

    pltpu.sync_copy(idx_hbm.at[pl.ds(chunk0, _NCHUNKS)], idx_all)
    pltpu.sync_copy(dist_hbm.at[pl.ds(chunk0, _NCHUNKS)], dist_all)

    xb_hbm = x_hbm.at[b]

    def fire_gather(c, p):
        pltpu.async_copy(xb_hbm.at[idx_all.at[c]], g_bufs[p], gsems[p])

    for p in range(_NBUF):
        fire_gather(p, p)
    if True:
        for p in range(_NBUF):
            pltpu.make_async_copy(
                xb_hbm.at[idx_all.at[p]], g_bufs[p], gsems[p]
            ).wait()
        return

    lanes = lax.iota(jnp.int32, _L)
    kperms = [jnp.full((_L,), k, jnp.int32) for k in range(2 * _K)]

    def compute_chunk(c, g_v, o_v):
        for v in range(_G // _L):
            d = dist_all[c, pl.ds(v * _L, _L)]
            inv = 1.0 / (d * d + 1e-8)
            s = inv
            for sh in (1, 2, 4):
                perm = lanes ^ sh
                s = s + s.at[perm].get(mode="promise_in_bounds")
            w_v[pl.ds(v * _L, _L)] = inv / s

        def pair_rows_body(i, carry2):
            r = 2 * i
            dw = w_v[pl.ds(r * _K, _L)]
            wa = [
                dw.at[kperms[k]].get(mode="promise_in_bounds")
                for k in range(_K)
            ]
            wb = [
                dw.at[kperms[_K + k]].get(mode="promise_in_bounds")
                for k in range(_K)
            ]
            g0 = r * _K
            for j in range(_DJ):
                ta = [g_v[g0 + k, pl.ds(j * _L, _L)] * wa[k] for k in range(_K)]
                tb = [
                    g_v[g0 + _K + k, pl.ds(j * _L, _L)] * wb[k]
                    for k in range(_K)
                ]
                acca = ((ta[0] + ta[1]) + (ta[2] + ta[3])) + (
                    (ta[4] + ta[5]) + (ta[6] + ta[7])
                )
                accb = ((tb[0] + tb[1]) + (tb[2] + tb[3])) + (
                    (tb[4] + tb[5]) + (tb[6] + tb[7])
                )
                o_v[r, pl.ds(j * _L, _L)] = acca
                o_v[r + 1, pl.ds(j * _L, _L)] = accb
            return carry2

        lax.fori_loop(0, _CHUNK // 2, pair_rows_body, 0, unroll=1)

    def ring_body(h, carry):
        for p in range(_NBUF):
            c = h * _NBUF + p
            pltpu.make_async_copy(
                xb_hbm.at[idx_all.at[c]], g_bufs[p], gsems[p]
            ).wait()

            @pl.when(h >= 1)
            def _():
                pltpu.make_async_copy(
                    o_bufs[p], out_hbm.at[pl.ds(mrow0 + c * _CHUNK, _CHUNK)],
                    osems[p],
                ).wait()

            compute_chunk(c, g_bufs[p], o_bufs[p])
            pltpu.async_copy(
                o_bufs[p], out_hbm.at[pl.ds(mrow0 + c * _CHUNK, _CHUNK)],
                osems[p],
            )

            @pl.when(c + _NBUF < _NCHUNKS)
            def _():
                fire_gather(c + _NBUF, p)

        return carry

    lax.fori_loop(0, _NCHUNKS // _NBUF, ring_body, 0, unroll=False)

    for p in range(_NBUF):
        pltpu.make_async_copy(
            o_bufs[p],
            out_hbm.at[pl.ds(mrow0 + (_NCHUNKS - _NBUF + p) * _CHUNK, _CHUNK)],
            osems[p],
        ).wait()


_iwd_sc = functools.partial(
    pl.kernel,
    out_type=jax.ShapeDtypeStruct((_M, _D), jnp.float32),
    mesh=plsc.VectorSubcoreMesh(core_axis_name="c", subcore_axis_name="s"),
    scratch_types=[
        pltpu.VMEM((_NCHUNKS, _G), jnp.int32),
        pltpu.VMEM((_NCHUNKS, _G), jnp.float32),
        pltpu.VMEM((_G,), jnp.float32),
        tuple(pltpu.VMEM((_G, _D), jnp.float32) for _ in range(_NBUF)),
        tuple(pltpu.VMEM((_CHUNK, _D), jnp.float32) for _ in range(_NBUF)),
        tuple(pltpu.SemaphoreType.DMA for _ in range(_NBUF)),
        tuple(pltpu.SemaphoreType.DMA for _ in range(_NBUF)),
    ],
)(_iwd_body)


def kernel(x, nbr_idx, nbr_dist):
    idx_c = nbr_idx.astype(jnp.int32).reshape(_Q, _G)
    dist_c = nbr_dist.astype(jnp.float32).reshape(_Q, _G)
    out = _iwd_sc(x, idx_c, dist_c)
    return out.reshape(_B, _N_OUT, _D)

# --- scband reference (transcript-rebuilt; emitter-appended) ---
"""Pipeline reference for scband-iwd-proj-layer-274877907664 (READ-ONLY COPY).

The authoritative reference and input builder live on the scoring server;
editing this copy changes nothing except your own understanding.
"""

import jax, jax.numpy as jnp
import numpy as np

B, N_IN, N_OUT, K, D = 2, 12288, 49152, 8, 128

def setup_inputs(seed: int = 0) -> dict:
    key = jax.random.key(seed)
    k1, k2, k3 = jax.random.split(key, 3)
    x = jax.random.normal(k1, (B, N_IN, D), dtype=jnp.float32)
    nbr_idx = jax.random.randint(k2, (N_OUT, K), 0, N_IN, dtype=jnp.int64)
    nbr_dist = jax.random.uniform(k3, (N_OUT, K), dtype=jnp.float32) * 0.1 + 1e-3
    return {"x": x, "nbr_idx": nbr_idx, "nbr_dist": nbr_dist}

def reference(x, nbr_idx, nbr_dist):
    # Faithful to forward: x.unsqueeze(dim=-2) -> [B, N_in, 1, D],
    # then Interpolator does k-NN gather from source grid (zoom_input)
    # to target grid (zoom_output) with inverse-distance weights (IWD),
    # calc_density=False so only interpolated features are returned.
    xe = x[:, :, None, :]  # [B, N_in, 1, D]
    flat_idx = nbr_idx.reshape(-1)  # [N_out*K]
    gathered = jnp.take(xe, flat_idx, axis=1)  # [B, N_out*K, 1, D]
    gathered = gathered.reshape(B, N_OUT, K, 1, D)
    # inverse distance weighting (power 2), normalized over the K neighbors
    w = 1.0 / (nbr_dist * nbr_dist + 1e-8)  # [N_out, K]
    w = w / jnp.sum(w, axis=-1, keepdims=True)
    out = jnp.sum(gathered * w[None, :, :, None, None], axis=2)  # [B, N_out, 1, D]
    return out.squeeze(-2)  # [B, N_out, D]

if __name__ == "__main__":
    import jax
    _d = setup_inputs()
    print(jax.jit(kernel)(*tuple(_d.values())))

</pallas_src>

<mosaic_0001>
#map = affine_map<(d0, d1) -> (0, 0, 0)>
#map1 = affine_map<(d0, d1) -> (0, 0)>
module attributes {stable_mosaic.version = 14 : i64} {
  func.func @_iwd_body(%arg0: i32, %arg1: i32, %arg2: memref<2x12288x128xf32, #tpu.memory_space<hbm>>, %arg3: memref<3072x128xi32, #tpu.memory_space<hbm>>, %arg4: memref<3072x128xf32, #tpu.memory_space<hbm>>, %arg5: memref<98304x128xf32, #tpu.memory_space<hbm>>, %arg6: memref<192x128xi32, #tpu.memory_space<vmem>>, %arg7: memref<192x128xf32, #tpu.memory_space<vmem>>, %arg8: memref<128xf32, #tpu.memory_space<vmem>>, %arg9: memref<128x128xf32, #tpu.memory_space<vmem>>, %arg10: memref<128x128xf32, #tpu.memory_space<vmem>>, %arg11: memref<128x128xf32, #tpu.memory_space<vmem>>, %arg12: memref<128x128xf32, #tpu.memory_space<vmem>>, %arg13: memref<16x128xf32, #tpu.memory_space<vmem>>, %arg14: memref<16x128xf32, #tpu.memory_space<vmem>>, %arg15: memref<16x128xf32, #tpu.memory_space<vmem>>, %arg16: memref<16x128xf32, #tpu.memory_space<vmem>>, %arg17: memref<!tpu.dma_semaphore, #tpu.memory_space<semaphore_mem>>, %arg18: memref<!tpu.dma_semaphore, #tpu.memory_space<semaphore_mem>>, %arg19: memref<!tpu.dma_semaphore, #tpu.memory_space<semaphore_mem>>, %arg20: memref<!tpu.dma_semaphore, #tpu.memory_space<semaphore_mem>>, %arg21: memref<!tpu.dma_semaphore, #tpu.memory_space<semaphore_mem>>, %arg22: memref<!tpu.dma_semaphore, #tpu.memory_space<semaphore_mem>>, %arg23: memref<!tpu.dma_semaphore, #tpu.memory_space<semaphore_mem>>, %arg24: memref<!tpu.dma_semaphore, #tpu.memory_space<semaphore_mem>>) attributes {dimension_semantics = [#tpu.dimension_semantics<core_parallel>, #tpu.dimension_semantics<subcore_parallel>], iteration_bounds = array<i64: 2, 16>, scalar_prefetch = 0 : i64, scratch_operands = 19 : i64, tpu.core_type = #tpu.core_type<sc_vector_subcore>, window_params = [{transform_indices = #map}, {transform_indices = #map1}, {transform_indices = #map1}, {transform_indices = #map1}]} {
    %mul3A = arith.constant 2 : i32
    %mul3A_0 = arith.muli %arg1, %mul3A : i32
    %add3A = arith.addi %mul3A_0, %arg0 : i32
    %jit3A = arith.constant 16 : i32
    %div3A = arith.divsi %add3A, %jit3A : i32
    %sign3A = arith.constant 0 : i32
    %sign3A_1 = arith.cmpi sgt, %add3A, %sign3A : i32
    %sign3A_2 = arith.extui %sign3A_1 : i1 to i32
    %sign3A_3 = arith.constant 0 : i32
    %sign3A_4 = arith.cmpi slt, %add3A, %sign3A_3 : i32
    %sign3A_5 = arith.extui %sign3A_4 : i1 to i32
    %sign3A_6 = arith.subi %sign3A_2, %sign3A_5 : i32
    %sign3A_7 = arith.constant 0 : i32
    %sign3A_8 = arith.cmpi sgt, %jit3A, %sign3A_7 : i32
    %sign3A_9 = arith.extui %sign3A_8 : i1 to i32
    %sign3A_10 = arith.constant 0 : i32
    %sign3A_11 = arith.cmpi slt, %jit3A, %sign3A_10 : i32
    %sign3A_12 = arith.extui %sign3A_11 : i1 to i32
    %sign3A_13 = arith.subi %sign3A_9, %sign3A_12 : i32
    %ne3A = arith.cmpi ne, %sign3A_6, %sign3A_13 : i32
    %rem3A = arith.remsi %add3A, %jit3A : i32
    %ne3A_14 = arith.constant 0 : i32
    %ne3A_15 = arith.cmpi ne, %rem3A, %ne3A_14 : i32
    %and3A = arith.andi %ne3A, %ne3A_15 : i1
    %sub3A = arith.constant 1 : i32
    %sub3A_16 = arith.subi %div3A, %sub3A : i32
    %select_n3A = arith.select %and3A, %sub3A_16, %div3A : i32
    %jit3A_17 = arith.constant 16 : i32
    %eq3A = arith.constant 0 : i32
    %eq3A_18 = arith.cmpi eq, %jit3A_17, %eq3A : i32
    %jit3A_19 = arith.constant 1 : i32
    %select_n3A_20 = arith.select %eq3A_18, %jit3A_19, %jit3A_17 : i32
    %rem3A_21 = arith.remsi %add3A, %select_n3A_20 : i32
    %ne3A_22 = arith.constant 0 : i32
    %ne3A_23 = arith.cmpi ne, %rem3A_21, %ne3A_22 : i32
    %lt3A = arith.constant 0 : i32
    %lt3A_24 = arith.cmpi slt, %rem3A_21, %lt3A : i32
    %lt3A_25 = arith.constant 0 : i32
    %lt3A_26 = arith.cmpi slt, %select_n3A_20, %lt3A_25 : i32
    %ne3A_27 = arith.xori %lt3A_24, %lt3A_26 : i1
    %and3A_28 = arith.andi %ne3A_27, %ne3A_23 : i1
    %add3A_29 = arith.addi %rem3A_21, %select_n3A_20 : i32
    %select_n3A_30 = arith.select %and3A_28, %add3A_29, %rem3A_21 : i32
    %mul3A_31 = arith.constant 192 : i32
    %mul3A_32 = arith.muli %select_n3A_30, %mul3A_31 : i32
    %mul3A_33 = arith.constant 3072 : i32
    %mul3A_34 = arith.muli %add3A, %mul3A_33 : i32
    "tpu.region"() ({
      %run_scoped3A = tpu.sem_alloc : memref<!tpu.dma_semaphore, #tpu.memory_space<semaphore_mem>>
      %dma_start3A_121 = arith.constant 0 : i32
      %dma_start3A_122 = tpu.memref_slice %arg3[%mul3A_32, %dma_start3A_121] : memref<3072x128xi32, #tpu.memory_space<hbm>> -> memref<192x128xi32, #tpu.memory_space<hbm>>
      %dma_start3A_123 = arith.constant 0 : i32
      %dma_start3A_124 = tpu.memref_slice %arg3[%mul3A_32, %dma_start3A_123] : memref<3072x128xi32, #tpu.memory_space<hbm>> -> memref<192x128xi32, #tpu.memory_space<hbm>>
      tpu.enqueue_dma source(%dma_start3A_124 : memref<192x128xi32, #tpu.memory_space<hbm>>) target(%arg6 : memref<192x128xi32, #tpu.memory_space<vmem>>) target_semaphore(%run_scoped3A : memref<!tpu.dma_semaphore, #tpu.memory_space<semaphore_mem>>)
      %dma_wait3A_125 = arith.constant 0 : i32
      %dma_wait3A_126 = tpu.memref_slice %arg3[%mul3A_32, %dma_wait3A_125] : memref<3072x128xi32, #tpu.memory_space<hbm>> -> memref<192x128xi32, #tpu.memory_space<hbm>>
      %dma_wait3A_127 = arith.constant 0 : i32
      %dma_wait3A_128 = tpu.memref_slice %arg3[%mul3A_32, %dma_wait3A_127] : memref<3072x128xi32, #tpu.memory_space<hbm>> -> memref<192x128xi32, #tpu.memory_space<hbm>>
      tpu.wait_dma2 semaphore(%run_scoped3A : memref<!tpu.dma_semaphore, #tpu.memory_space<semaphore_mem>>) src(%dma_wait3A_128 : memref<192x128xi32, #tpu.memory_space<hbm>>) dst(%arg6 : memref<192x128xi32, #tpu.memory_space<vmem>>)
      tpu.yield
    }) : () -> ()
    "tpu.region"() ({
      %run_scoped3A = tpu.sem_alloc : memref<!tpu.dma_semaphore, #tpu.memory_space<semaphore_mem>>
      %dma_start3A_121 = arith.constant 0 : i32
      %dma_start3A_122 = tpu.memref_slice %arg4[%mul3A_32, %dma_start3A_121] : memref<3072x128xf32, #tpu.memory_space<hbm>> -> memref<192x128xf32, #tpu.memory_space<hbm>>
      %dma_start3A_123 = arith.constant 0 : i32
      %dma_start3A_124 = tpu.memref_slice %arg4[%mul3A_32, %dma_start3A_123] : memref<3072x128xf32, #tpu.memory_space<hbm>> -> memref<192x128xf32, #tpu.memory_space<hbm>>
      tpu.enqueue_dma source(%dma_start3A_124 : memref<192x128xf32, #tpu.memory_space<hbm>>) target(%arg7 : memref<192x128xf32, #tpu.memory_space<vmem>>) target_semaphore(%run_scoped3A : memref<!tpu.dma_semaphore, #tpu.memory_space<semaphore_mem>>)
      %dma_wait3A_125 = arith.constant 0 : i32
      %dma_wait3A_126 = tpu.memref_slice %arg4[%mul3A_32, %dma_wait3A_125] : memref<3072x128xf32, #tpu.memory_space<hbm>> -> memref<192x128xf32, #tpu.memory_space<hbm>>
      %dma_wait3A_127 = arith.constant 0 : i32
      %dma_wait3A_128 = tpu.memref_slice %arg4[%mul3A_32, %dma_wait3A_127] : memref<3072x128xf32, #tpu.memory_space<hbm>> -> memref<192x128xf32, #tpu.memory_space<hbm>>
      tpu.wait_dma2 semaphore(%run_scoped3A : memref<!tpu.dma_semaphore, #tpu.memory_space<semaphore_mem>>) src(%dma_wait3A_128 : memref<192x128xf32, #tpu.memory_space<hbm>>) dst(%arg7 : memref<192x128xf32, #tpu.memory_space<vmem>>)
      tpu.yield
    }) : () -> ()
    %dma_start3A = arith.constant 0 : i32
    %dma_start3A_35 = arith.constant 0 : i32
    %dma_start3A_36 = tpu.memref_slice %arg6[%dma_start3A, %dma_start3A_35] : memref<192x128xi32, #tpu.memory_space<vmem>> -> memref<1x128xi32, #tpu.memory_space<vmem>>
    %dma_start3A_37 = tpu.memref_squeeze %dma_start3A_36 : memref<1x128xi32, #tpu.memory_space<vmem>> -> memref<128xi32, #tpu.memory_space<vmem>>
    %dma_start3A_38 = arith.constant 0 : i32
    %dma_start3A_39 = arith.constant 0 : i32
    %dma_start3A_40 = tpu.memref_slice %arg2[%select_n3A, %dma_start3A_38, %dma_start3A_39] : memref<2x12288x128xf32, #tpu.memory_space<hbm>> -> memref<1x12288x128xf32, #tpu.memory_space<hbm>>
    %dma_start3A_41 = tpu.memref_squeeze %dma_start3A_40 : memref<1x12288x128xf32, #tpu.memory_space<hbm>> -> memref<12288x128xf32, #tpu.memory_space<hbm>>
    %dma_start3A_42 = arith.constant 0 : i32
    %dma_start3A_43 = arith.constant 0 : i32
    %dma_start3A_44 = tpu.memref_slice %dma_start3A_41[%dma_start3A_42, %dma_start3A_43] : memref<12288x128xf32, #tpu.memory_space<hbm>> -> memref<12288x128xf32, #tpu.memory_space<hbm>>
    tpu.enqueue_indirect_dma source(%dma_start3A_44 : memref<12288x128xf32, #tpu.memory_space<hbm>>) target(%arg9 : memref<128x128xf32, #tpu.memory_space<vmem>>) offsets(%dma_start3A_37 : memref<128xi32, #tpu.memory_space<vmem>>) semaphore(%arg17 : memref<!tpu.dma_semaphore, #tpu.memory_space<semaphore_mem>>)
    %dma_start3A_45 = arith.constant 1 : i32
    %dma_start3A_46 = arith.constant 0 : i32
    %dma_start3A_47 = tpu.memref_slice %arg6[%dma_start3A_45, %dma_start3A_46] : memref<192x128xi32, #tpu.memory_space<vmem>> -> memref<1x128xi32, #tpu.memory_space<vmem>>
    %dma_start3A_48 = tpu.memref_squeeze %dma_start3A_47 : memref<1x128xi32, #tpu.memory_space<vmem>> -> memref<128xi32, #tpu.memory_space<vmem>>
    %dma_start3A_49 = arith.constant 0 : i32
    %dma_start3A_50 = arith.constant 0 : i32
    %dma_start3A_51 = tpu.memref_slice %arg2[%select_n3A, %dma_start3A_49, %dma_start3A_50] : memref<2x12288x128xf32, #tpu.memory_space<hbm>> -> memref<1x12288x128xf32, #tpu.memory_space<hbm>>
    %dma_start3A_52 = tpu.memref_squeeze %dma_start3A_51 : memref<1x12288x128xf32, #tpu.memory_space<hbm>> -> memref<12288x128xf32, #tpu.memory_space<hbm>>
    %dma_start3A_53 = arith.constant 0 : i32
    %dma_start3A_54 = arith.constant 0 : i32
    %dma_start3A_55 = tpu.memref_slice %dma_start3A_52[%dma_start3A_53, %dma_start3A_54] : memref<12288x128xf32, #tpu.memory_space<hbm>> -> memref<12288x128xf32, #tpu.memory_space<hbm>>
    tpu.enqueue_indirect_dma source(%dma_start3A_55 : memref<12288x128xf32, #tpu.memory_space<hbm>>) target(%arg10 : memref<128x128xf32, #tpu.memory_space<vmem>>) offsets(%dma_start3A_48 : memref<128xi32, #tpu.memory_space<vmem>>) semaphore(%arg18 : memref<!tpu.dma_semaphore, #tpu.memory_space<semaphore_mem>>)
    %dma_start3A_56 = arith.constant 2 : i32
    %dma_start3A_57 = arith.constant 0 : i32
    %dma_start3A_58 = tpu.memref_slice %arg6[%dma_start3A_56, %dma_start3A_57] : memref<192x128xi32, #tpu.memory_space<vmem>> -> memref<1x128xi32, #tpu.memory_space<vmem>>
    %dma_start3A_59 = tpu.memref_squeeze %dma_start3A_58 : memref<1x128xi32, #tpu.memory_space<vmem>> -> memref<128xi32, #tpu.memory_space<vmem>>
    %dma_start3A_60 = arith.constant 0 : i32
    %dma_start3A_61 = arith.constant 0 : i32
    %dma_start3A_62 = tpu.memref_slice %arg2[%select_n3A, %dma_start3A_60, %dma_start3A_61] : memref<2x12288x128xf32, #tpu.memory_space<hbm>> -> memref<1x12288x128xf32, #tpu.memory_space<hbm>>
    %dma_start3A_63 = tpu.memref_squeeze %dma_start3A_62 : memref<1x12288x128xf32, #tpu.memory_space<hbm>> -> memref<12288x128xf32, #tpu.memory_space<hbm>>
    %dma_start3A_64 = arith.constant 0 : i32
    %dma_start3A_65 = arith.constant 0 : i32
    %dma_start3A_66 = tpu.memref_slice %dma_start3A_63[%dma_start3A_64, %dma_start3A_65] : memref<12288x128xf32, #tpu.memory_space<hbm>> -> memref<12288x128xf32, #tpu.memory_space<hbm>>
    tpu.enqueue_indirect_dma source(%dma_start3A_66 : memref<12288x128xf32, #tpu.memory_space<hbm>>) target(%arg11 : memref<128x128xf32, #tpu.memory_space<vmem>>) offsets(%dma_start3A_59 : memref<128xi32, #tpu.memory_space<vmem>>) semaphore(%arg19 : memref<!tpu.dma_semaphore, #tpu.memory_space<semaphore_mem>>)
    %dma_start3A_67 = arith.constant 3 : i32
    %dma_start3A_68 = arith.constant 0 : i32
    %dma_start3A_69 = tpu.memref_slice %arg6[%dma_start3A_67, %dma_start3A_68] : memref<192x128xi32, #tpu.memory_space<vmem>> -> memref<1x128xi32, #tpu.memory_space<vmem>>
    %dma_start3A_70 = tpu.memref_squeeze %dma_start3A_69 : memref<1x128xi32, #tpu.memory_space<vmem>> -> memref<128xi32, #tpu.memory_space<vmem>>
    %dma_start3A_71 = arith.constant 0 : i32
    %dma_start3A_72 = arith.constant 0 : i32
    %dma_start3A_73 = tpu.memref_slice %arg2[%select_n3A, %dma_start3A_71, %dma_start3A_72] : memref<2x12288x128xf32, #tpu.memory_space<hbm>> -> memref<1x12288x128xf32, #tpu.memory_space<hbm>>
    %dma_start3A_74 = tpu.memref_squeeze %dma_start3A_73 : memref<1x12288x128xf32, #tpu.memory_space<hbm>> -> memref<12288x128xf32, #tpu.memory_space<hbm>>
    %dma_start3A_75 = arith.constant 0 : i32
    %dma_start3A_76 = arith.constant 0 : i32
    %dma_start3A_77 = tpu.memref_slice %dma_start3A_74[%dma_start3A_75, %dma_start3A_76] : memref<12288x128xf32, #tpu.memory_space<hbm>> -> memref<12288x128xf32, #tpu.memory_space<hbm>>
    tpu.enqueue_indirect_dma source(%dma_start3A_77 : memref<12288x128xf32, #tpu.memory_space<hbm>>) target(%arg12 : memref<128x128xf32, #tpu.memory_space<vmem>>) offsets(%dma_start3A_70 : memref<128xi32, #tpu.memory_space<vmem>>) semaphore(%arg20 : memref<!tpu.dma_semaphore, #tpu.memory_space<semaphore_mem>>)
    %dma_wait3A = arith.constant 0 : i32
    %dma_wait3A_78 = arith.constant 0 : i32
    %dma_wait3A_79 = tpu.memref_slice %arg6[%dma_wait3A, %dma_wait3A_78] : memref<192x128xi32, #tpu.memory_space<vmem>> -> memref<1x128xi32, #tpu.memory_space<vmem>>
    %dma_wait3A_80 = tpu.memref_squeeze %dma_wait3A_79 : memref<1x128xi32, #tpu.memory_space<vmem>> -> memref<128xi32, #tpu.memory_space<vmem>>
    %dma_wait3A_81 = arith.constant 0 : i32
    %dma_wait3A_82 = arith.constant 0 : i32
    %dma_wait3A_83 = tpu.memref_slice %arg2[%select_n3A, %dma_wait3A_81, %dma_wait3A_82] : memref<2x12288x128xf32, #tpu.memory_space<hbm>> -> memref<1x12288x128xf32, #tpu.memory_space<hbm>>
    %dma_wait3A_84 = tpu.memref_squeeze %dma_wait3A_83 : memref<1x12288x128xf32, #tpu.memory_space<hbm>> -> memref<12288x128xf32, #tpu.memory_space<hbm>>
    %dma_wait3A_85 = arith.constant 0 : i32
    %dma_wait3A_86 = arith.constant 0 : i32
    %dma_wait3A_87 = tpu.memref_slice %dma_wait3A_84[%dma_wait3A_85, %dma_wait3A_86] : memref<12288x128xf32, #tpu.memory_space<hbm>> -> memref<12288x128xf32, #tpu.memory_space<hbm>>
    tpu.wait_indirect_dma semaphore(%arg17 : memref<!tpu.dma_semaphore, #tpu.memory_space<semaphore_mem>>) src(%dma_wait3A_87 : memref<12288x128xf32, #tpu.memory_space<hbm>>) dst(%arg9 : memref<128x128xf32, #tpu.memory_space<vmem>>)
    %dma_wait3A_88 = arith.constant 1 : i32
    %dma_wait3A_89 = arith.constant 0 : i32
    %dma_wait3A_90 = tpu.memref_slice %arg6[%dma_wait3A_88, %dma_wait3A_89] : memref<192x128xi32, #tpu.memory_space<vmem>> -> memref<1x128xi32, #tpu.memory_space<vmem>>
    %dma_wait3A_91 = tpu.memref_squeeze %dma_wait3A_90 : memref<1x128xi32, #tpu.memory_space<vmem>> -> memref<128xi32, #tpu.memory_space<vmem>>
    %dma_wait3A_92 = arith.constant 0 : i32
    %dma_wait3A_93 = arith.constant 0 : i32
    %dma_wait3A_94 = tpu.memref_slice %arg2[%select_n3A, %dma_wait3A_92, %dma_wait3A_93] : memref<2x12288x128xf32, #tpu.memory_space<hbm>> -> memref<1x12288x128xf32, #tpu.memory_space<hbm>>
    %dma_wait3A_95 = tpu.memref_squeeze %dma_wait3A_94 : memref<1x12288x128xf32, #tpu.memory_space<hbm>> -> memref<12288x128xf32, #tpu.memory_space<hbm>>
    %dma_wait3A_96 = arith.constant 0 : i32
    %dma_wait3A_97 = arith.constant 0 : i32
    %dma_wait3A_98 = tpu.memref_slice %dma_wait3A_95[%dma_wait3A_96, %dma_wait3A_97] : memref<12288x128xf32, #tpu.memory_space<hbm>> -> memref<12288x128xf32, #tpu.memory_space<hbm>>
    tpu.wait_indirect_dma semaphore(%arg18 : memref<!tpu.dma_semaphore, #tpu.memory_space<semaphore_mem>>) src(%dma_wait3A_98 : memref<12288x128xf32, #tpu.memory_space<hbm>>) dst(%arg10 : memref<128x128xf32, #tpu.memory_space<vmem>>)
    %dma_wait3A_99 = arith.constant 2 : i32
    %dma_wait3A_100 = arith.constant 0 : i32
    %dma_wait3A_101 = tpu.memref_slice %arg6[%dma_wait3A_99, %dma_wait3A_100] : memref<192x128xi32, #tpu.memory_space<vmem>> -> memref<1x128xi32, #tpu.memory_space<vmem>>
    %dma_wait3A_102 = tpu.memref_squeeze %dma_wait3A_101 : memref<1x128xi32, #tpu.memory_space<vmem>> -> memref<128xi32, #tpu.memory_space<vmem>>
    %dma_wait3A_103 = arith.constant 0 : i32
    %dma_wait3A_104 = arith.constant 0 : i32
    %dma_wait3A_105 = tpu.memref_slice %arg2[%select_n3A, %dma_wait3A_103, %dma_wait3A_104] : memref<2x12288x128xf32, #tpu.memory_space<hbm>> -> memref<1x12288x128xf32, #tpu.memory_space<hbm>>
    %dma_wait3A_106 = tpu.memref_squeeze %dma_wait3A_105 : memref<1x12288x128xf32, #tpu.memory_space<hbm>> -> memref<12288x128xf32, #tpu.memory_space<hbm>>
    %dma_wait3A_107 = arith.constant 0 : i32
    %dma_wait3A_108 = arith.constant 0 : i32
    %dma_wait3A_109 = tpu.memref_slice %dma_wait3A_106[%dma_wait3A_107, %dma_wait3A_108] : memref<12288x128xf32, #tpu.memory_space<hbm>> -> memref<12288x128xf32, #tpu.memory_space<hbm>>
    tpu.wait_indirect_dma semaphore(%arg19 : memref<!tpu.dma_semaphore, #tpu.memory_space<semaphore_mem>>) src(%dma_wait3A_109 : memref<12288x128xf32, #tpu.memory_space<hbm>>) dst(%arg11 : memref<128x128xf32, #tpu.memory_space<vmem>>)
    %dma_wait3A_110 = arith.constant 3 : i32
    %dma_wait3A_111 = arith.constant 0 : i32
    %dma_wait3A_112 = tpu.memref_slice %arg6[%dma_wait3A_110, %dma_wait3A_111] : memref<192x128xi32, #tpu.memory_space<vmem>> -> memref<1x128xi32, #tpu.memory_space<vmem>>
    %dma_wait3A_113 = tpu.memref_squeeze %dma_wait3A_112 : memref<1x128xi32, #tpu.memory_space<vmem>> -> memref<128xi32, #tpu.memory_space<vmem>>
    %dma_wait3A_114 = arith.constant 0 : i32
    %dma_wait3A_115 = arith.constant 0 : i32
    %dma_wait3A_116 = tpu.memref_slice %arg2[%select_n3A, %dma_wait3A_114, %dma_wait3A_115] : memref<2x12288x128xf32, #tpu.memory_space<hbm>> -> memref<1x12288x128xf32, #tpu.memory_space<hbm>>
    %dma_wait3A_117 = tpu.memref_squeeze %dma_wait3A_116 : memref<1x12288x128xf32, #tpu.memory_space<hbm>> -> memref<12288x128xf32, #tpu.memory_space<hbm>>
    %dma_wait3A_118 = arith.constant 0 : i32
    %dma_wait3A_119 = arith.constant 0 : i32
    %dma_wait3A_120 = tpu.memref_slice %dma_wait3A_117[%dma_wait3A_118, %dma_wait3A_119] : memref<12288x128xf32, #tpu.memory_space<hbm>> -> memref<12288x128xf32, #tpu.memory_space<hbm>>
    tpu.wait_indirect_dma semaphore(%arg20 : memref<!tpu.dma_semaphore, #tpu.memory_space<semaphore_mem>>) src(%dma_wait3A_120 : memref<12288x128xf32, #tpu.memory_space<hbm>>) dst(%arg12 : memref<128x128xf32, #tpu.memory_space<vmem>>)
    return
  }
}

</mosaic_0001>

<sc_bundles>
// kernel: kernel.3.cloned.1.call-start
scs
__scs_entry_jumppad:
0x0: {  	(pc) =	sbr.rel $0x88, $3  }
0x1: {  	(tag) =	ssettag $0x0;
	lr =	simm.s32 $0x1  }
0x2: {  	[smem:$0x3F9E] =	sst lr;
	_ =	strace $0xD0000000  }
0x3: {  	_ = 	snop  }
0x4: {  	_ = 	snop  }
0x5: {  	_ = 	snop  }
0x6: {  	_ = 	snop  }
0x7: {  	_ = 	snop  }
__scs_overlays_trampoline_lowered:
0x8: {  	[smem:$0x3FAD] =	sst s0  }
0x9: {  	[smem:$0x3FAE] =	sst s1  }
0xa: {  	[smem:$0x3FAF] =	sst s2  }
0xb: {  	[smem:$0x3FB0] =	sst s3  }
0xc: {  	[smem:$0x3FB1] =	sst s4  }
0xd: {  	[smem:$0x3FB2] =	sst s5  }
0xe: {  	[smem:$0x3FB3] =	sst s6  }
0xf: {  	[smem:$0x3FB4] =	sst s7  }
0x10: {  	[smem:$0x3FB5] =	sst s8  }
0x11: {  	[smem:$0x3FB6] =	sst s9;
	s0 =	simm.s32 @!p0 $0x0  }
0x12: {  	s1 =	sld [smem:$0x3F9C];
	s0 =	simm.s32 @p0 $0x1  }
0x13: {  	[smem:$0x3FB7] =	sst s0;
	s0 =	simm.s32 @!p1 $0x0  }
0x14: {  	s2 =	sld [smem:$0x3F9B];
	s0 =	simm.s32 @p1 $0x1  }
0x15: {  	[smem:$0x3FB8] =	sst s0;
	s0 =	simm.s32 @!p2 $0x0  }
0x16: {  	s3 =	sld [smem:$0x3FDB];
	s0 =	simm.s32 @p2 $0x1  }
0x17: {  	s4 =	simm.s32 $0x1BF5;
	[smem:$0x3FBA] =	sst s0  }
0x18: {  	s0 =	sld [smem:$0x3F9D];
	_ =	swait.ge [sflag:s4], $0x0  }
0x19: {  	s7 =	sld [smem:$0x3F9E]  }
0x1a: {  	s8 =	sadd.s32 $0xFFFFE003, lr  }
0x1b: {  	s9 =	sadd.s32 $0xFFFFFEF7, lr;
	s5 =	simm.s32 $0xFFFFFFFF;
	p2 =	slt.u32 s8, $0xFFFFF086  }
0x1c: {  	p1 =	slt.u32 s9, $0xF7A;
	s5 =	simm.s32 @!p2 $0x0  }
0x1d: {  	s5 =	simm.s32 @p1 $0x1;
	p0 =	seq.s32 s7, s2  }
0x1e: {  	s7 =	smul.u32 @!p0 $0xF7A, s2;
	p2 =	seq.s32 @!p0 s5, $0x0  }
0x1f: {  	s9 =	smul.u32 $0xF7A, s1;
	s8 =	simm.s32 @!p0 $0x1BF5;
	p2 =	por !p2, p0  }
0x20: {  	[sflag:s8] =	ssyncset.s32 @!p0 $0xFFFFF086;
	s6 =	sadd.s32 @!p0 s3, s7;
	s7 =	simm.s32 @!p0 $0x108  }
0x21: {  	s3 =	sadd.s32 s3, s9;
	s6 =	sadd.s32 @!p0 $0x88, s6;
	s7 =	simm.s32 @p2 $0x1082  }
0x22: {  	[simem:s7], [sflag:s8] =	dma.local @!p0 [hbm:s6], $0xF7A  }
0x23: {  	s9 =	sor.u32 $0xD0000000, s2;
	s6 =	simm.s32 $0x108;
	_ =	swait.ge @!p0 [sflag:s8], $0x0  }
0x24: {  	s3 =	sadd.s32 $0x88, s3;
	s6 =	simm.s32 @!p1 $0x1082;
	[sflag:s4] =	ssyncset.s32 $0xFFFFF086  }
0x25: {  	[simem:s6], [sflag:s4] =	dma.local [hbm:s3], $0xF7A  }
0x26: {  	[smem:$0x3F9E] =	sst s1;
	(tag) =	ssettag s2;
	_ =	strace s9  }
0x27: {  	s1 =	sld [smem:$0x3FAE]  }
0x28: {  	s2 =	sld [smem:$0x3FAF]  }
0x29: {  	s4 =	sld [smem:$0x3FB1]  }
0x2a: {  	p0 =	seq.s32 s5, $0x0;
	s5 =	sld [smem:$0x3FB2]  }
0x2b: {  	s6 =	sld [smem:$0x3FB3]  }
0x2c: {  	s7 =	sld [smem:$0x3FB4]  }
0x2d: {  	s3 =	simm.s32 $0x108;
	s8 =	sld [smem:$0x3FB5]  }
0x2e: {  	s3 =	simm.s32 @!p0 $0x1082;
	s9 =	sld [smem:$0x3FB6]  }
0x2f: {  	lr =	sadd.s32 s0, s3;
	s0 =	sld [smem:$0x3FAD]  }
0x30: {  	s3 =	sld [smem:$0x3FB0]  }
0x31: {  	[smem:$0x3FB9] =	sst s10  }
0x32: {  	s10 =	sld [smem:$0x3FB7];
	_ =	sdelay $0x3  }
0x33: {  	p0 =	seq.s32 s10, $0x1;
	s10 =	sld [smem:$0x3FB9];
	_ =	sdelay $0x3  }
0x34: {  	[smem:$0x3FB9] =	sst s10  }
0x35: {  	s10 =	sld [smem:$0x3FB8];
	_ =	sdelay $0x3  }
0x36: {  	p1 =	seq.s32 s10, $0x1;
	s10 =	sld [smem:$0x3FB9];
	_ =	sdelay $0x3  }
0x37: {  	[smem:$0x3FB9] =	sst s10  }
0x38: {  	s10 =	sld [smem:$0x3FBA]  }
0x39: {  	_ = 	snop;
	(pc) =	sbr.ind lr, $3  }
0x3a: {  	_ = 	snop  }
0x3b: {  	_ = 	snop  }
0x3c: {  	p2 =	seq.s32 s10, $0x1;
	s10 =	sld [smem:$0x3FB9]  }
0x3d: {  	_ =	shalt  }
0x3e: {  	_ =	shalt  }
0x3f: {  	_ =	shalt  }
0x40: {  	_ =	shalt  }
0x41: {  	_ =	shalt  }
0x42: {  	_ =	shalt  }
0x43: {  	_ =	shalt  }
0x44: {  	_ =	shalt  }
0x45: {  	_ =	shalt  }
0x46: {  	_ =	shalt  }
0x47: {  	_ =	shalt  }
0x48: {  	_ =	shalt  }
0x49: {  	_ =	shalt  }
0x4a: {  	_ =	shalt  }
0x4b: {  	_ =	shalt  }
0x4c: {  	_ =	shalt  }
0x4d: {  	_ =	shalt  }
0x4e: {  	_ =	shalt  }
0x4f: {  	_ =	shalt  }
0x50: {  	_ =	shalt  }
0x51: {  	_ =	shalt  }
0x52: {  	_ =	shalt  }
0x53: {  	_ =	shalt  }
0x54: {  	_ =	shalt  }
0x55: {  	_ =	shalt  }
0x56: {  	_ =	shalt  }
0x57: {  	_ =	shalt  }
0x58: {  	_ =	shalt  }
0x59: {  	_ =	shalt  }
0x5a: {  	_ =	shalt  }
0x5b: {  	_ =	shalt  }
0x5c: {  	_ =	shalt  }
0x5d: {  	_ =	shalt  }
0x5e: {  	_ =	shalt  }
0x5f: {  	_ =	shalt  }
0x60: {  	_ =	shalt  }
0x61: {  	_ =	shalt  }
0x62: {  	_ =	shalt  }
0x63: {  	_ =	shalt  }
0x64: {  	_ =	shalt  }
0x65: {  	_ =	shalt  }
0x66: {  	_ =	shalt  }
0x67: {  	_ =	shalt  }
0x68: {  	_ =	shalt  }
0x69: {  	_ =	shalt  }
0x6a: {  	_ =	shalt  }
0x6b: {  	_ =	shalt  }
0x6c: {  	_ =	shalt  }
0x6d: {  	_ =	shalt  }
0x6e: {  	_ =	shalt  }
0x6f: {  	_ =	shalt  }
0x70: {  	_ =	shalt  }
0x71: {  	_ =	shalt  }
0x72: {  	_ =	shalt  }
0x73: {  	_ =	shalt  }
0x74: {  	_ =	shalt  }
0x75: {  	_ =	shalt  }
0x76: {  	_ =	shalt  }
0x77: {  	_ =	shalt  }
0x78: {  	_ =	shalt  }
0x79: {  	_ =	shalt  }
0x7a: {  	_ =	shalt  }
0x7b: {  	_ =	shalt  }
0x7c: {  	_ =	shalt  }
0x7d: {  	_ =	shalt  }
0x7e: {  	_ =	shalt  }
0x7f: {  	_ =	shalt  }
0x80: {  	_ =	shalt  }
0x81: {  	_ =	shalt  }
0x82: {  	_ =	shalt  }
0x83: {  	_ =	shalt  }
0x84: {  	_ =	shalt  }
0x85: {  	_ =	shalt  }
0x86: {  	_ =	shalt  }
0x87: {  	_ =	shalt  }
.Lfunc_end0:
.L_simem_size_0:
called_computation_lowered:
.L_overlay_start_0:
0x88: {  	s2 =	sld [smem:$0x3FD9]  }
0x89: {  	s3 =	sld [smem:$0x3FFE];
	_ =	sdelay $0x1  }
0x8a: {  	s1 =	srdreg.scid  }
0x8b: {  	s0 =	sand.u32 $0x1, s1  }
0x8c: {  	s17 =	sshll.u32 s0, $0xA;
	s2 =	sadd.s32 s3, s2  }
0x8d: {  	s2 =	sadd.s32 s2, s17  }
0x8e: {  	[smem:$0x3FC5] =	sst s2  }
0x8f: {  	_ = 	snop  }
0x90: {  	s2 =	sld [smem:$0x3FC9];
	(tm) =	ssettm $0x1  }
0x91: {  	s18 =	sld [smem:$0x3FFB];
	_ =	sdelay $0x3  }
0x92: {  	_ =	strace s18  }
0x93: {  	s3 =	sld [smem:$0x3FFC];
	_ =	sdelay $0x3  }
0x94: {  	_ =	strace s3  }
0x95: {  	s3 =	sld [smem:$0x3FFD];
	_ =	sdelay $0x3  }
0x96: {  	_ =	strace s3  }
0x97: {  	_ =	strace $0x8FFFFFFF  }
0x98: {  	s19 =	sld [smem:$0x3FDB];
	_ =	sdelay $0x1  }
0x99: {  	s4 =	simm.s32 $_scs_section_size  }
0x9a: {  	s5 =	simm.s32 $_size__tile_overlayer_lowered;
	s6 =	simm.s32 $_tile_overlayer_lowered  }
0x9b: {  	s22 =	simm.s32 $0x1BFF;
	s21 =	sshll.u32 s6, $0x1;
	s3 =	sadd.s32 s4, s19  }
0x9c: {  	s7 =	simm.s32 $0x0;
	s20 =	sshll.u32 s5, $0x1;
	s5 =	sadd.s32 s21, s3  }
0x9d: {  	[timem:s7], [sflag:s22] =	dma.local [hbm:s5], s20  }
0x9e: {  	_ =	swait.ge [sflag:s22], s20  }
0x9f: {  	s4 =	ssub.s32 $0x0, s20;
	[sflag:s22] =	ssyncset.done $0x0  }
0xa0: {  	[sflag:s22] =	ssyncadd.s32 s4;
	_ =	sdelay $0x1  }
0xa1: {  	s23 =	simm.s32 $0x1B8B  }
0xa2: {  	_ =	swait.ge [sflag:s23], $0x1  }
0xa3: {  	[sflag:s23] =	ssyncset.done $0x0  }
0xa4: {  	s25 =	simm.s32 $0x1B8E;
	s24 =	sld [smem:$0x3FFE];
	[sflag:s23] =	ssyncadd.s32 $0xFFFFFFFF  }
0xa5: {  	s26 =	simm.s32 $execute0_lowered;
	[smem:$0x3FD2] =	sst s25  }
0xa6: {  	s5 =	sshll.u32 s26, $0x1;
	_ =	strace $0x80000046;
	[dreg:$0x1] =	wrdreg $0xFFFFFFFF  }
0xa7: {  	s28 =	simm.s32 $_size_execute0_lowered;
	s3 =	sadd.s32 s3, s5;
	[dreg:$0x0] =	wrdreg $0x0  }
0xa8: {  	s5 =	sshll.u32 s28, $0x1;
	[dreg:$0x2] =	wrdreg s3  }
0xa9: {  	[dreg:$0x3] =	wrdreg s5  }
0xaa: {  	[dreg:$0x4] =	wrdreg $0xC0  }
0xab: {  	_ =	task [dreg:s7], $0x5FFFF  }
0xac: {  	[dreg:$0x1] =	wrdreg $0xFFFFFFFF  }
0xad: {  	[dreg:$0x0] =	wrdreg $0x60  }
0xae: {  	[dreg:$0x2] =	wrdreg s2  }
0xaf: {  	[dreg:$0x3] =	wrdreg s24  }
0xb0: {  	[dreg:$0x4] =	wrdreg $0x9  }
0xb1: {  	_ =	task.clear_ibuf [dreg:s7], $0x5FFFF;
	_ =	strace $0x90000046  }
0xb2: {  	s29 =	simm.s32 $0x9;
	_ =	strace $0x80000048  }
0xb3: {  	_ =	swait.ge [sflag:s29], $0x1  }
0xb4: {  	[sflag:s29] =	ssyncadd.s32 $0xFFFFFFFF  }
0xb5: {  	_ =	strace $0x90000048  }
0xb6: {  	_ =	sfence  }
0xb7: {  	s30 =	sld [smem:$0x0];
	_ =	sdelay $0x2  }
0xb8: {  	s31 =	sshll.u32 s1, $0xD;
	s1 =	sshrl.u32 s1, $0x2  }
0xb9: {  	s3 =	sand.u32 $0x4000, s31;
	s1 =	sadd.s32 s1, s30  }
0xba: {  	s0 =	sor.u32 s3, s0;
	s1 =	sshll.u32 s1, $0x11  }
0xbb: {  	s0 =	sor.u32 s1, s0  }
0xbc: {  	s0 =	sadd.s32 $0x8F2B, s0  }
0xbd: {  	[sflag:s0] =	ssyncadd.remote.s32 $0x1  }
0xbe: {  	_ =	sfence.sel $0xFFFF  }
0xbf: {  	[dreg:$0x0] =	wrdreg $0xFFFFFFFF;
	(pc) =	sbr.abs _section_cstart, $3  }
0xc0: {  	[dreg:$0x1] =	wrdreg $0xFFFFFFFF  }
0xc1: {  	_ =	task.clear_ibuf [dreg:s7], $0x2FFFF;
	_ =	strace $0x9FFFFFFF  }
0xc2: {  	(tm) =	ssettm $0x7FFFFFFF  }
0xc3: {  	_ =	shalt  }
tec
execute0_lowered:
.L_overlay_start_1:
0x0: {  	(tag) =	ssettag $0x1  }
0x1: {  	s0 =	stileid.u32  }
0x2: {  	s1 =	srdreg.scid;
	s2 =	sshll.u32 s0, $0x1  }
0x3: {  	s17 =	sand.u32 $0x1, s1;
	s31 =	sand.u32 $0xE, s2  }
0x4: {  	s7 =	rddreg [dreg:$0x0];
	s1 =	sor.u32 s17, s31  }
0x5: {  	s3 =	rddreg [dreg:$0x1];
	s2 =	simm.s32 $0x0;
	s4 =	smul.u32 $0xC00, s1  }
0x6: {  	[smem:$0x7FF] =	sst s2  }
0x7: {  	s1 =	rddreg [dreg:$0x2];
	s5 =	sadd.s32 s4, s3  }
0x8: {  	_ =	strace $0x80000047;
	s4 =	simm.s32 $0x5;
	s3 =	sadd.s32 $0x600, s5  }
0x9: {  	[tilespmem:s2], [sflag:$0x5] =	stream.linear.gather [hbm4b:s3+s2], $0x6000, $0x38;
	[tilespmem:$0x1C000] =	vst v63  }
0xa: {  	s6 =	sshrl.u32 s0, $0x3;
	_ =	swait.ge [sflag:s4], $0x6000  }
0xb: {  	s8 =	smul.u32 $0x30000, s6;
	[sflag:s4] =	ssyncset.done $0x0  }
0xc: {  	s6 =	simm.s32 $0x6000;
	s5 =	sadd.s32 $0xC600, s5;
	[sflag:s4] =	ssyncadd.s32 $0xFFFFA000  }
0xd: {  	[tilespmem:s6], [sflag:$0x5] =	stream.linear.gather [hbm4b:s5+s2], $0x6000, $0x38;
	[tilespmem:$0x1C000] =	vst v63  }
0xe: {  	_ =	swait.ge [sflag:s4], $0x6000  }
0xf: {  	s9 =	simm.s32 $0xC000;
	[sflag:s4] =	ssyncset.done $0x0  }
0x10: {  	s7 =	sadd.s32 s7, s8;
	s8 =	simm.s32 $0x80;
	[sflag:s4] =	ssyncadd.s32 $0xFFFFA000  }
0x11: {  	[tilespmem:s9], [sflag:$0x1] =	stream.indirect.gather [hbm4b:s7+s8], $0x80, s2, s8, $0xb8;
	[tilespmem:$0x1C000] =	vst v63  }
0x12: {  	s10 =	simm.s32 $0x10000  }
0x13: {  	[tilespmem:s10], [sflag:$0x2] =	stream.indirect.gather [hbm4b:s7+s8], $0x80, s8, s8, $0xb8;
	[tilespmem:$0x1C000] =	vst v63  }
0x14: {  	s11 =	simm.s32 $0x100;
	s12 =	simm.s32 $0x14000  }
0x15: {  	[tilespmem:s12], [sflag:$0x3] =	stream.indirect.gather [hbm4b:s7+s8], $0x80, s11, s8, $0xb8;
	[tilespmem:$0x1C000] =	vst v63  }
0x16: {  	s13 =	simm.s32 $0x180;
	s14 =	simm.s32 $0x18000;
	s15 =	simm.s32 $0x1  }
0x17: {  	[tilespmem:s14], [sflag:$0x4] =	stream.indirect.gather [hbm4b:s7+s8], $0x80, s13, s8, $0xb8;
	[tilespmem:$0x1C000] =	vst v63  }
0x18: {  	_ =	swait.ge [sflag:s15], $0x4000  }
0x19: {  	s18 =	ssub.s32 $0x2, s17;
	[sflag:s15] =	ssyncset.done $0x0  }
0x1a: {  	s16 =	simm.s32 $0x2;
	s19 =	sshrl.u32 s18, $0x1;
	[sflag:s15] =	ssyncadd.s32 $0xFFFFC000  }
0x1b: {  	s18 =	ssub.s32 s18, s19;
	_ =	swait.ge [sflag:s16], $0x4000  }
0x1c: {  	s19 =	smax.u32 s18, $0x1;
	[sflag:s16] =	ssyncset.done $0x0  }
0x1d: {  	s17 =	simm.s32 $0x3;
	p0 =	sne.s32 s19, $0x1;
	[sflag:s16] =	ssyncadd.s32 $0xFFFFC000  }
.Ltmp0:
0x1e: {  	_ =	swait.ge [sflag:s17], $0x4000;
	(pc) =	sbr.rel @!p0 .LBB2_2-.Ltmp0, $4  }
0x1f: {  	[sflag:s17] =	ssyncset.done $0x0  }
0x20: {  	s18 =	simm.s32 $0x4;
	[sflag:s17] =	ssyncadd.s32 $0xFFFFC000  }
0x21: {  	_ =	swait.ge [sflag:s18], $0x4000  }
0x22: {  	s19 =	sadd.s32 $0xFFFFFFFF, s19;
	[sflag:s18] =	ssyncset.done $0x0  }
.LBB2_1:
0x23: {  	p0 =	sne.s32 s19, $0x1;
	s19 =	sadd.s32 $0xFFFFFFFF, s19;
	[sflag:s18] =	ssyncadd.s32 $0xFFFFC000  }
0x24: {  	[tilespmem:s2], [sflag:$0x5] =	stream.linear.gather [hbm4b:s3+s2], $0x6000, $0x38;
	[tilespmem:$0x1C000] =	vst v63  }
0x25: {  	_ =	swait.ge [sflag:s4], $0x6000  }
0x26: {  	[sflag:s4] =	ssyncset.done $0x0  }
0x27: {  	[sflag:s4] =	ssyncadd.s32 $0xFFFFA000  }
0x28: {  	[tilespmem:s6], [sflag:$0x5] =	stream.linear.gather [hbm4b:s5+s2], $0x6000, $0x38;
	[tilespmem:$0x1C000] =	vst v63  }
0x29: {  	_ =	swait.ge [sflag:s4], $0x6000  }
0x2a: {  	[sflag:s4] =	ssyncset.done $0x0  }
0x2b: {  	[sflag:s4] =	ssyncadd.s32 $0xFFFFA000  }
0x2c: {  	[tilespmem:s9], [sflag:$0x1] =	stream.indirect.gather [hbm4b:s7+s8], $0x80, s2, s8, $0xb8;
	[tilespmem:$0x1C000] =	vst v63  }
0x2d: {  	_ = 	snop  }
0x2e: {  	[tilespmem:s10], [sflag:$0x2] =	stream.indirect.gather [hbm4b:s7+s8], $0x80, s8, s8, $0xb8;
	[tilespmem:$0x1C000] =	vst v63  }
0x2f: {  	_ = 	snop  }
0x30: {  	[tilespmem:s12], [sflag:$0x3] =	stream.indirect.gather [hbm4b:s7+s8], $0x80, s11, s8, $0xb8;
	[tilespmem:$0x1C000] =	vst v63  }
0x31: {  	_ = 	snop  }
0x32: {  	[tilespmem:s14], [sflag:$0x4] =	stream.indirect.gather [hbm4b:s7+s8], $0x80, s13, s8, $0xb8;
	[tilespmem:$0x1C000] =	vst v63  }
0x33: {  	_ =	swait.ge [sflag:s15], $0x4000  }
0x34: {  	[sflag:s15] =	ssyncset.done $0x0  }
0x35: {  	[sflag:s15] =	ssyncadd.s32 $0xFFFFC000  }
0x36: {  	_ =	swait.ge [sflag:s16], $0x4000  }
0x37: {  	[sflag:s16] =	ssyncset.done $0x0  }
0x38: {  	[sflag:s16] =	ssyncadd.s32 $0xFFFFC000  }
.Ltmp1:
0x39: {  	_ =	swait.ge [sflag:s17], $0x4000;
	(pc) =	sbr.rel @p0 .LBB2_1-.Ltmp1, $4  }
0x3a: {  	[sflag:s17] =	ssyncset.done $0x0  }
0x3b: {  	[sflag:s17] =	ssyncadd.s32 $0xFFFFC000  }
0x3c: {  	_ =	swait.ge [sflag:s18], $0x4000  }
0x3d: {  	[sflag:s18] =	ssyncset.done $0x0  }
.LBB2_2:
0x3e: {  	[sflag:s18] =	ssyncadd.s32 $0xFFFFC000  }
0x3f: {  	_ =	sfence.sel $0x180000  }
0x40: {  	[bflag:$0x0] =	sbarrier.arrive $0xFFFF  }
0x41: {  	p0 =	sne.s32 s0, $0x0;
	_ =	strace $0x90000047  }
0x42: {  	s0 =	sadd.s32 @!p0 $0x100000, s1;
	[bflag:$0x2] =	sbarrier.arrive $0xFFFF  }
0x43: {  	[sflag:s0] =	ssyncadd.tile.s32 @!p0 $0x1;
	_ =	shalt  }
.Lfunc_end2:
_tile_overlayer_lowered:
.L_overlay_start_2:
0x44: {  	(tag) =	ssettag $0x2  }
0x45: {  	s0 =	rddreg [dreg:$0x0];
	s2 =	stileid.u32  }
0x46: {  	s1 =	rddreg [dreg:$0x1];
	p0 =	sne.s32 s2, $0x0  }
0x47: {  	s3 =	rddreg [dreg:$0x2];
	[bflag:$0x3] =	sbarrier.arrive $0xFFFF;
	s2 =	simm.s32 @!p0 $0x1C05  }
0x48: {  	[timem:s3], [sflag:s2] =	dma.local @!p0 [hbm:s0], s1  }
0x49: {  	s0 =	simm.s32 @!p0 $0x5  }
0x4a: {  	_ =	swait.ge @!p0 [sflag:s0], s1  }
0x4b: {  	s1 =	ssub.s32 @!p0 $0x0, s1;
	[sflag:s0] =	ssyncset.done @!p0 $0x0  }
0x4c: {  	[sflag:s0] =	ssyncadd.s32 @!p0 s1  }
0x4d: {  	[bflag:$0x3] =	sbarrier.arrive $0xFFFF  }
0x4e: {  	_ =	shalt  }

</sc_bundles>
